<compile_context>
chip_gen: v7x
topology: tpu7x:2x2x1
jax: 0.10.2.dev20260603
libtpu: 0.0.44.dev20260713+nightly
codegen_flags: <defaults>
</compile_context>

<pallas_src>
import dataclasses
import functools

import jax
import jax.numpy as jnp
import numpy as np
from jax import lax
from jax.experimental import pallas as pl
from jax.experimental.pallas import tpu as pltpu
from jax.experimental.pallas import tpu_sc as plsc

N = 10000
E = 320000
HID = 128
D = 4
SUB = HID // D
K = 4
K1 = 2
NUM_KS = K1 * ((1 << K) - 1)
GROUP_STARTS = [0, 2, 6, 14]
GROUP_SIZES = [2, 4, 8, 16]

NW = 32
EPW = E // NW
CH = 128
NCHUNK = E // CH
ITERS = (NCHUNK + NW - 1) // NW
NPT = N // 16

@functools.cache
def _mesh():
    return plsc.VectorSubcoreMesh(core_axis_name="c", subcore_axis_name="s")


_SC_PARAMS = pltpu.CompilerParams()
if "needs_layout_passes" in pltpu.CompilerParams.__dataclass_fields__:
    _SC_PARAMS = dataclasses.replace(_SC_PARAMS, needs_layout_passes=False)


def _deg_body(dst_hbm, cnt_hbm, idx_v, cnt_v):
    c = lax.axis_index("c")
    s = lax.axis_index("s")
    wid = s * 2 + c
    zero16 = jnp.zeros((16,), jnp.float32)
    one16 = jnp.ones((16,), jnp.float32)

    @pl.loop(0, N // 16)
    def _(i):
        cnt_v[pl.ds(i * 16, 16)] = zero16

    pltpu.sync_copy(dst_hbm.at[pl.ds(wid * EPW, EPW)], idx_v)

    @pl.loop(0, EPW // 16)
    def _(j):
        iv = idx_v[pl.ds(j * 16, 16)]
        plsc.addupdate_scatter(cnt_v, [iv], one16)

    pltpu.sync_copy(cnt_v, cnt_hbm.at[wid, 0])


@jax.jit
def _sc_degree(dst):
    f = pl.kernel(
        _deg_body,
        out_type=jax.ShapeDtypeStruct((NW, 1, N), jnp.float32),
        mesh=_mesh(),
        scratch_types=[
            pltpu.VMEM((EPW,), jnp.int32),
            pltpu.VMEM((N,), jnp.float32),
        ],
        compiler_params=_SC_PARAMS,
    )
    return f(dst)


def _prop_body(hs_hbm, src_hbm, dst_hbm, part_hbm,
               idx_s0, idx_d0, idx_s1, idx_d1, rows0, rows1,
               isem0, isem1, gsem0, gsem1, ssem0, ssem1, acc_sh):
    c = lax.axis_index("c")
    s = lax.axis_index("s")
    wid = s * 2 + c
    zero16 = jnp.zeros((16,), jnp.float32)

    @pl.loop(0, CH)
    def _(i):
        @pl.loop(0, HID // 16)
        def _(j):
            rows0[i, pl.ds(j * 16, 16)] = zero16

    base = s * 624

    @pl.loop(0, 6)
    def _(k):
        pltpu.sync_copy(rows0.at[pl.ds(0, 104)], acc_sh.at[pl.ds(base + k * 104, 104)])

    @pl.when(s == 15)
    def _():
        pltpu.sync_copy(rows0.at[pl.ds(0, 16)], acc_sh.at[pl.ds(16 * 624, 16)])

    plsc.subcore_barrier()

    bufs = ((idx_s0, idx_d0, rows0, isem0, gsem0, ssem0),
            (idx_s1, idx_d1, rows1, isem1, gsem1, ssem1))

    def chunk_of(i):
        return i * NW + wid

    def start_idx(i, b):
        idx_s, idx_d, _, isem, _, _ = bufs[b]

        @pl.when(chunk_of(i) < NCHUNK)
        def _():
            off = chunk_of(i) * CH
            pltpu.async_copy(src_hbm.at[pl.ds(off, CH)], idx_s, isem)
            pltpu.async_copy(dst_hbm.at[pl.ds(off, CH)], idx_d, isem)

    def wait_idx(i, b):
        idx_s, idx_d, _, isem, _, _ = bufs[b]

        @pl.when(chunk_of(i) < NCHUNK)
        def _():
            off = chunk_of(i) * CH
            pltpu.make_async_copy(src_hbm.at[pl.ds(off, CH)], idx_s, isem).wait()
            pltpu.make_async_copy(dst_hbm.at[pl.ds(off, CH)], idx_d, isem).wait()

    def start_gather(i, b):
        idx_s, _, rows, _, gsem, _ = bufs[b]

        @pl.when(chunk_of(i) < NCHUNK)
        def _():
            pltpu.async_copy(hs_hbm.at[idx_s], rows, gsem)

    def wait_gather(i, b):
        idx_s, _, rows, _, gsem, _ = bufs[b]

        @pl.when(chunk_of(i) < NCHUNK)
        def _():
            pltpu.make_async_copy(hs_hbm.at[idx_s], rows, gsem).wait()

    def start_scatter(i, b):
        _, idx_d, rows, _, _, ssem = bufs[b]

        @pl.when(chunk_of(i) < NCHUNK)
        def _():
            pltpu.async_copy(rows, acc_sh.at[idx_d], ssem, add=True)

    def wait_scatter(i, b):
        _, idx_d, rows, _, _, ssem = bufs[b]

        @pl.when(chunk_of(i) < NCHUNK)
        def _():
            pltpu.make_async_copy(rows, acc_sh.at[idx_d], ssem).wait()

    start_idx(0, 0)
    start_idx(1, 1)
    wait_idx(0, 0)
    start_gather(0, 0)

    @pl.loop(0, ITERS + 1, step=2)
    def _(i):
        wait_gather(i, 0)
        start_scatter(i, 0)
        wait_idx(i + 1, 1)
        start_gather(i + 1, 1)
        wait_scatter(i, 0)
        start_idx(i + 2, 0)
        wait_gather(i + 1, 1)
        start_scatter(i + 1, 1)
        wait_idx(i + 2, 0)
        start_gather(i + 2, 0)
        wait_scatter(i + 1, 1)
        start_idx(i + 3, 1)

    plsc.subcore_barrier()
    pltpu.sync_copy(acc_sh.at[pl.ds(base, 624)], part_hbm.at[c, pl.ds(base, 624)])

    @pl.when(s == 15)
    def _():
        pltpu.sync_copy(acc_sh.at[pl.ds(16 * 624, 16)],
                        part_hbm.at[c, pl.ds(16 * 624, 16)])


@jax.jit
def _sc_propagate(hs, src, dst):
    f = pl.kernel(
        _prop_body,
        out_type=jax.ShapeDtypeStruct((2, N, HID), jnp.float32),
        mesh=_mesh(),
        scratch_types=[
            pltpu.VMEM((CH,), jnp.int32),
            pltpu.VMEM((CH,), jnp.int32),
            pltpu.VMEM((CH,), jnp.int32),
            pltpu.VMEM((CH,), jnp.int32),
            pltpu.VMEM((CH, HID), jnp.float32),
            pltpu.VMEM((CH, HID), jnp.float32),
            pltpu.SemaphoreType.DMA,
            pltpu.SemaphoreType.DMA,
            pltpu.SemaphoreType.DMA,
            pltpu.SemaphoreType.DMA,
            pltpu.SemaphoreType.DMA,
            pltpu.SemaphoreType.DMA,
            pltpu.VMEM_SHARED((N, HID), jnp.float32),
        ],
        compiler_params=_SC_PARAMS,
    )
    return f(hs, src, dst)


BN = 2000
GRID = N // BN

_HI = jax.lax.Precision.HIGHEST


def _pre_body(cnt_ref, x_ref, w_ref, dinv_ref, h_ref):
    deg = jnp.sum(cnt_ref[...], axis=1) + 1.0
    dinv = lax.rsqrt(deg)
    dinv2 = dinv[:, None]
    dinv_ref[...] = dinv2
    h = jnp.dot(x_ref[...], w_ref[...], preferred_element_type=jnp.float32,
                precision=_HI)
    h_ref[...] = dinv2 * h


@jax.jit
def _tc_pre(cnt, x, w0):
    return pl.pallas_call(
        _pre_body,
        grid=(GRID,),
        in_specs=[
            pl.BlockSpec((BN, NW), lambda i: (i, 0)),
            pl.BlockSpec((BN, HID), lambda i: (i, 0)),
            pl.BlockSpec((HID, HID), lambda i: (0, 0)),
        ],
        out_specs=[
            pl.BlockSpec((BN, 1), lambda i: (i, 0)),
            pl.BlockSpec((BN, HID), lambda i: (i, 0)),
        ],
        out_shape=[
            jax.ShapeDtypeStruct((N, 1), jnp.float32),
            jax.ShapeDtypeStruct((N, HID), jnp.float32),
        ],
    )(cnt, x, w0)


def _mid_body(p0_ref, p1_ref, hp_ref, dinv_ref, b_ref, w_ref, out_ref):
    dinv = dinv_ref[...]
    t = dinv * (p0_ref[...] + p1_ref[...] + hp_ref[...]) + b_ref[...]
    h = jnp.where(t >= 0, t, 0.5 * t)
    out_ref[...] = dinv * jnp.dot(h, w_ref[...], preferred_element_type=jnp.float32,
                                  precision=_HI)


@jax.jit
def _tc_mid(p0, p1, hp, dinv, b, w):
    return pl.pallas_call(
        _mid_body,
        grid=(GRID,),
        in_specs=[
            pl.BlockSpec((BN, HID), lambda i: (i, 0)),
            pl.BlockSpec((BN, HID), lambda i: (i, 0)),
            pl.BlockSpec((BN, HID), lambda i: (i, 0)),
            pl.BlockSpec((BN, 1), lambda i: (i, 0)),
            pl.BlockSpec((1, HID), lambda i: (0, 0)),
            pl.BlockSpec((HID, HID), lambda i: (0, 0)),
        ],
        out_specs=pl.BlockSpec((BN, HID), lambda i: (i, 0)),
        out_shape=jax.ShapeDtypeStruct((N, HID), jnp.float32),
    )(p0, p1, hp, dinv, b, w)


def _quant_body(q0_ref, q1_ref, hp_ref, dinv_ref, b_ref, cexp_ref, cr_ref,
                w_ref, out_ref, sp_ref):
    dinv = dinv_ref[...]
    t = dinv * (q0_ref[...] + q1_ref[...] + hp_ref[...]) + b_ref[...]
    h2 = jnp.where(t >= 0, t, 0.5 * t)
    logits = jnp.dot(h2, cexp_ref[...], preferred_element_type=jnp.float32,
                     precision=_HI)

    @pl.when(pl.program_id(0) == 0)
    def _():
        sp_ref[...] = jnp.zeros_like(sp_ref)

    pred_parts = []
    for d in range(D):
        feats = []
        for k in range(K):
            g0 = GROUP_STARTS[k]
            sz = GROUP_SIZES[k]
            sl = logits[:, d * NUM_KS + g0: d * NUM_KS + g0 + sz]
            gmax = jnp.max(sl, axis=1, keepdims=True)
            e = jnp.exp(sl - gmax)
            gs = jnp.sum(e, axis=1, keepdims=True)
            probs = e / gs
            sp_ref[d, g0:g0 + sz] += jnp.sum(probs, axis=0)
            sel = (sl == gmax).astype(jnp.float32)
            feats.append(jnp.dot(sel, cr_ref[d, g0:g0 + sz, :],
                                 preferred_element_type=jnp.float32,
                                 precision=_HI))
        pred_d = jnp.maximum(jnp.maximum(feats[0], feats[1]),
                             jnp.maximum(feats[2], feats[3]))
        pred_parts.append(pred_d)
    pred = jnp.concatenate(pred_parts, axis=1)
    h3 = h2 + pred
    out_ref[...] = dinv * jnp.dot(h3, w_ref[...], preferred_element_type=jnp.float32,
                                  precision=_HI)


@jax.jit
def _tc_quant(q0, q1, hp, dinv, b, cexp, cr, w):
    return pl.pallas_call(
        _quant_body,
        grid=(GRID,),
        in_specs=[
            pl.BlockSpec((BN, HID), lambda i: (i, 0)),
            pl.BlockSpec((BN, HID), lambda i: (i, 0)),
            pl.BlockSpec((BN, HID), lambda i: (i, 0)),
            pl.BlockSpec((BN, 1), lambda i: (i, 0)),
            pl.BlockSpec((1, HID), lambda i: (0, 0)),
            pl.BlockSpec((HID, D * NUM_KS), lambda i: (0, 0)),
            pl.BlockSpec((D, NUM_KS, SUB), lambda i: (0, 0, 0)),
            pl.BlockSpec((HID, HID), lambda i: (0, 0)),
        ],
        out_specs=[
            pl.BlockSpec((BN, HID), lambda i: (i, 0)),
            pl.BlockSpec((D, NUM_KS), lambda i: (0, 0)),
        ],
        out_shape=[
            jax.ShapeDtypeStruct((N, HID), jnp.float32),
            jax.ShapeDtypeStruct((D, NUM_KS), jnp.float32),
        ],
    )(q0, q1, hp, dinv, b, cexp, cr, w)


def _fin_body(r0_ref, r1_ref, hp_ref, dinv_ref, b_ref, sp_ref, tgt_ref,
              out_ref, reg_ref):
    dinv = dinv_ref[...]
    out_ref[...] = dinv * (r0_ref[...] + r1_ref[...] + hp_ref[...]) + b_ref[...]

    @pl.when(pl.program_id(0) == 0)
    def _():
        diff = sp_ref[...] * (1.0 / N) - tgt_ref[...]
        reg_ref[...] = jnp.sqrt(jnp.sum(diff * diff)).reshape(1, 1)


@jax.jit
def _tc_fin(r0, r1, hp, dinv, b, sp, tgt):
    return pl.pallas_call(
        _fin_body,
        grid=(GRID,),
        in_specs=[
            pl.BlockSpec((BN, HID), lambda i: (i, 0)),
            pl.BlockSpec((BN, HID), lambda i: (i, 0)),
            pl.BlockSpec((BN, HID), lambda i: (i, 0)),
            pl.BlockSpec((BN, 1), lambda i: (i, 0)),
            pl.BlockSpec((1, HID), lambda i: (0, 0)),
            pl.BlockSpec((D, NUM_KS), lambda i: (0, 0)),
            pl.BlockSpec((D, NUM_KS), lambda i: (0, 0)),
        ],
        out_specs=[
            pl.BlockSpec((BN, HID), lambda i: (i, 0)),
            pl.BlockSpec((1, 1), lambda i: (0, 0)),
        ],
        out_shape=[
            jax.ShapeDtypeStruct((N, HID), jnp.float32),
            jax.ShapeDtypeStruct((1, 1), jnp.float32),
        ],
    )(r0, r1, hp, dinv, b, sp, tgt)


def kernel(x, edge_index, W0, b0, W1, b1, W2, b2, centroids):
    src, dst = edge_index[0], edge_index[1]
    cnt = _sc_degree(dst)
    dinv, hs0 = _tc_pre(cnt.reshape(NW, N).T, x, W0)

    p = _sc_propagate(hs0, src, dst)
    hs1 = _tc_mid(p[0], p[1], hs0, dinv, b0.reshape(1, HID), W1)

    q = _sc_propagate(hs1, src, dst)

    cr = centroids.reshape(NUM_KS, D, SUB)
    cexp = jnp.einsum("mds,de->dsem", cr, jnp.eye(D, dtype=jnp.float32))
    cexp = cexp.reshape(HID, D * NUM_KS)
    cr2 = cr.transpose(1, 0, 2)
    k_blns = np.concatenate(
        [np.full(K1 << j, 1.0 / (K1 << j)) for j in range(K)]
    ).astype(np.float32)
    tgt = jnp.tile(jnp.asarray(k_blns), (D, 1))

    hs2, sp = _tc_quant(q[0], q[1], hs1, dinv, b1.reshape(1, HID), cexp, cr2, W2)

    r = _sc_propagate(hs2, src, dst)
    out, reg = _tc_fin(r[0], r[1], hs2, dinv, b2.reshape(1, HID), sp, tgt)
    return out, reg.reshape(())

# --- scband reference (transcript-rebuilt; emitter-appended) ---
"""Pipeline reference for scband-gcn-76184129896739 (READ-ONLY COPY).

The authoritative reference and input builder live on the scoring server;
editing this copy changes nothing except your own understanding.
"""

import jax, jax.numpy as jnp
import numpy as np

N = 10000
E = 320000
DIN = 128
HID = 128
OUT = 128
D = 4
K = 4
K1 = 2
NUM_KS = K1 * ((1 << K) - 1)
K_INDS = np.concatenate([np.full(K1 << j, j) for j in range(K)]).astype(np.int32)
K_BLNS = np.concatenate([np.full(K1 << j, 1.0 / (K1 << j)) for j in range(K)]).astype(np.float32)


def setup_inputs(seed: int = 0) -> dict:
    key = jax.random.key(seed)
    ks = jax.random.split(key, 10)
    x = jax.random.normal(ks[0], (N, DIN), dtype=jnp.float32)
    edge_index = jax.random.randint(ks[1], (2, E), 0, N, dtype=jnp.int32)
    W0 = jax.random.normal(ks[2], (DIN, HID), dtype=jnp.float32) * (1.0 / np.sqrt(DIN))
    b0 = jnp.zeros((HID,), dtype=jnp.float32)
    W1 = jax.random.normal(ks[3], (HID, HID), dtype=jnp.float32) * (1.0 / np.sqrt(HID))
    b1 = jnp.zeros((HID,), dtype=jnp.float32)
    W2 = jax.random.normal(ks[4], (HID, OUT), dtype=jnp.float32) * (1.0 / np.sqrt(HID))
    b2 = jnp.zeros((OUT,), dtype=jnp.float32)
    # kaiming_normal_ on centroids: std = sqrt(2 / fan_in) with fan_in = hidden_dim
    centroids = jax.random.normal(ks[5], (NUM_KS, HID), dtype=jnp.float32) * np.sqrt(2.0 / HID)
    return {"x": x, "edge_index": edge_index, "W0": W0, "b0": b0, "W1": W1, "b1": b1,
            "W2": W2, "b2": b2, "centroids": centroids}


def gcn_conv(x, src, dst, W, b):
    # PyG GCNConv: add self-loops, symmetric normalization, linear transform, scatter-add
    n = x.shape[0]
    loop = jnp.arange(n, dtype=src.dtype)
    s = jnp.concatenate([src, loop])
    d = jnp.concatenate([dst, loop])
    deg = jax.ops.segment_sum(jnp.ones_like(s, dtype=x.dtype), d, num_segments=n)
    dinv = jnp.where(deg > 0, deg ** -0.5, 0.0)
    norm = dinv[s] * dinv[d]
    h = x @ W
    msg = norm[:, None] * h[s]
    out = jax.ops.segment_sum(msg, d, num_segments=n)
    return out + b


def quantization(H, centroids, tau=1.0):
    n = H.shape[0]
    sub = HID // D
    k_inds = jnp.asarray(K_INDS)
    prods = (H[:, None, :] * centroids[None, :, :]).reshape(n, NUM_KS, D, sub).sum(-1)
    logits = prods / tau
    onehot = (k_inds[:, None] == jnp.arange(K)[None, :]).astype(H.dtype)  # [NUM_KS, K]
    mask = onehot.T.astype(bool)  # [K, NUM_KS]
    masked = jnp.where(mask[None, :, :, None], logits[:, None, :, :], -jnp.inf)  # [n,K,NUM_KS,D]
    group_max = masked.max(axis=2)          # [n, K, D]
    hard_idx = masked.argmax(axis=2)        # [n, K, D] absolute indices along NUM_KS (scatter_max argmax)
    gmax_pos = jnp.take(group_max, k_inds, axis=1)  # [n, NUM_KS, D]
    expl = jnp.exp(logits - gmax_pos)
    gsum = jnp.einsum('nmd,mk->nkd', expl, onehot)
    soft_probs = expl / jnp.take(gsum, k_inds, axis=1)   # scatter_softmax over groups
    cent_r = centroids.reshape(NUM_KS, D, sub)
    hard_feats = cent_r[hard_idx, jnp.arange(D)[None, None, :], :].reshape(n, K, HID)
    normalized = soft_probs[..., None] * cent_r[None]
    weighted = jnp.einsum('nmds,mk->nkds', normalized, onehot)  # scatter sum over groups
    soft_feats = weighted.reshape(n, K, HID)
    quant = jax.lax.stop_gradient(hard_feats - soft_feats) + soft_feats
    balance = soft_probs.sum(0) / n
    target = jnp.tile(jnp.asarray(K_BLNS), D).reshape(D, NUM_KS).T
    reg = jnp.linalg.norm(balance - target)
    pred = quant.max(axis=1)
    return pred, reg


def reference(x, edge_index, W0, b0, W1, b1, W2, b2, centroids):
    src, dst = edge_index[0], edge_index[1]
    h = gcn_conv(x, src, dst, W0, b0)
    h = jax.nn.leaky_relu(h, negative_slope=0.5)
    # dropout identity (eval mode)
    h = gcn_conv(h, src, dst, W1, b1)
    h = jax.nn.leaky_relu(h, negative_slope=0.5)
    pred, reg = quantization(h, centroids, tau=1.0)
    h = h + pred
    out = gcn_conv(h, src, dst, W2, b2)
    return out, reg

if __name__ == "__main__":
    import jax
    _d = setup_inputs()
    print(jax.jit(kernel)(*tuple(_d.values())))

</pallas_src>

<mosaic_0001>
#map = affine_map<(d0, d1) -> (0)>
#map1 = affine_map<(d0, d1) -> (0, 0, 0)>
module attributes {stable_mosaic.version = 14 : i64} {
  func.func @_deg_body(%arg0: i32, %arg1: i32, %arg2: memref<320000xi32, #tpu.memory_space<hbm>>, %arg3: memref<32x1x10000xf32, #tpu.memory_space<hbm>>, %arg4: memref<10000xi32, #tpu.memory_space<vmem>>, %arg5: memref<10000xf32, #tpu.memory_space<vmem>>) attributes {dimension_semantics = [#tpu.dimension_semantics<core_parallel>, #tpu.dimension_semantics<subcore_parallel>], iteration_bounds = array<i64: 2, 16>, scalar_prefetch = 0 : i64, scratch_operands = 2 : i64, tpu.core_type = #tpu.core_type<sc_vector_subcore>, window_params = [{transform_indices = #map}, {transform_indices = #map1}]} {
    %mul3A = arith.constant 2 : i32
    %mul3A_0 = arith.muli %arg1, %mul3A : i32
    %add3A = arith.addi %mul3A_0, %arg0 : i32
    %broadcast_in_dim3A = arith.constant 0.000000e+00 : f32
    %broadcast_in_dim3A_1 = vector.broadcast %broadcast_in_dim3A : f32 to vector<16xf32>
    %broadcast_in_dim3A_2 = arith.constant 1.000000e+00 : f32
    %broadcast_in_dim3A_3 = vector.broadcast %broadcast_in_dim3A_2 : f32 to vector<16xf32>
    %scan3A = arith.constant 0 : i32
    %scan3A_4 = arith.constant 625 : i32
    %scan3A_5 = arith.addi %scan3A, %scan3A_4 : i32
    %scan3A_6 = arith.constant 1 : i32
    scf.for %scan3A_15 = %scan3A to %scan3A_5 step %scan3A_6  : i32 {
      %mul3A_16 = arith.constant 1 : i32
      %mul3A_17 = arith.muli %scan3A_15, %mul3A_16 : i32
      %add3A_18 = arith.constant 0 : i32
      %add3A_19 = arith.addi %add3A_18, %mul3A_17 : i32
      %mul3A_20 = arith.constant 16 : i32
      %mul3A_21 = arith.muli %add3A_19, %mul3A_20 : i32
      %swap3A = arith.index_cast %mul3A_21 : i32 to index
      %swap3A_22 = tpu.vector_load %arg5[%swap3A] {strides = array<i32>} : memref<10000xf32, #tpu.memory_space<vmem>>, vector<16xf32>,
      tpu.vector_store %arg5[%swap3A], %broadcast_in_dim3A_1 {strides = array<i32>} : memref<10000xf32, #tpu.memory_space<vmem>>, vector<16xf32>,
    }
    %scan3A_7 = arith.constant 625 : i32
    %mul3A_8 = arith.constant 10000 : i32
    %mul3A_9 = arith.muli %add3A, %mul3A_8 : i32
    "tpu.region"() ({
      %run_scoped3A_15 = tpu.sem_alloc : memref<!tpu.dma_semaphore, #tpu.memory_space<semaphore_mem>>
      %dma_start3A = tpu.memref_slice %arg2[%mul3A_9] : memref<320000xi32, #tpu.memory_space<hbm>> -> memref<10000xi32, #tpu.memory_space<hbm>>
      %dma_start3A_16 = tpu.memref_slice %arg2[%mul3A_9] : memref<320000xi32, #tpu.memory_space<hbm>> -> memref<10000xi32, #tpu.memory_space<hbm>>
      tpu.enqueue_dma source(%dma_start3A_16 : memref<10000xi32, #tpu.memory_space<hbm>>) target(%arg4 : memref<10000xi32, #tpu.memory_space<vmem>>) target_semaphore(%run_scoped3A_15 : memref<!tpu.dma_semaphore, #tpu.memory_space<semaphore_mem>>)
      %dma_wait3A = tpu.memref_slice %arg2[%mul3A_9] : memref<320000xi32, #tpu.memory_space<hbm>> -> memref<10000xi32, #tpu.memory_space<hbm>>
      %dma_wait3A_17 = tpu.memref_slice %arg2[%mul3A_9] : memref<320000xi32, #tpu.memory_space<hbm>> -> memref<10000xi32, #tpu.memory_space<hbm>>
      tpu.wait_dma2 semaphore(%run_scoped3A_15 : memref<!tpu.dma_semaphore, #tpu.memory_space<semaphore_mem>>) src(%dma_wait3A_17 : memref<10000xi32, #tpu.memory_space<hbm>>) dst(%arg4 : memref<10000xi32, #tpu.memory_space<vmem>>)
      tpu.yield
    }) : () -> ()
    %scan3A_10 = arith.constant 0 : i32
    %scan3A_11 = arith.constant 625 : i32
    %scan3A_12 = arith.addi %scan3A_10, %scan3A_11 : i32
    %scan3A_13 = arith.constant 1 : i32
    scf.for %scan3A_15 = %scan3A_10 to %scan3A_12 step %scan3A_13  : i32 {
      %mul3A_16 = arith.constant 1 : i32
      %mul3A_17 = arith.muli %scan3A_15, %mul3A_16 : i32
      %add3A_18 = arith.constant 0 : i32
      %add3A_19 = arith.addi %add3A_18, %mul3A_17 : i32
      %mul3A_20 = arith.constant 16 : i32
      %mul3A_21 = arith.muli %add3A_19, %mul3A_20 : i32
      %get3A = arith.index_cast %mul3A_21 : i32 to index
      %get3A_22 = tpu.vector_load %arg4[%get3A] {strides = array<i32>} : memref<10000xi32, #tpu.memory_space<vmem>>, vector<16xi32>,
      tpu.vector_store_idx %arg5[%get3A_22], %broadcast_in_dim3A_3 {add = true} : memref<10000xf32, #tpu.memory_space<vmem>>[vector<16xi32>], vector<16xf32>,
    }
    %scan3A_14 = arith.constant 625 : i32
    %run_scoped3A = arith.constant 0 : i32
    "tpu.region"() ({
      %run_scoped3A_15 = tpu.sem_alloc : memref<!tpu.dma_semaphore, #tpu.memory_space<semaphore_mem>>
      %dma_start3A = arith.constant 0 : i32
      %dma_start3A_16 = tpu.memref_slice %arg3[%add3A, %run_scoped3A, %dma_start3A] : memref<32x1x10000xf32, #tpu.memory_space<hbm>> -> memref<1x1x10000xf32, #tpu.memory_space<hbm>>
      %dma_start3A_17 = tpu.memref_squeeze %dma_start3A_16 : memref<1x1x10000xf32, #tpu.memory_space<hbm>> -> memref<10000xf32, #tpu.memory_space<hbm>>
      %dma_start3A_18 = arith.constant 0 : i32
      %dma_start3A_19 = tpu.memref_slice %arg3[%add3A, %run_scoped3A, %dma_start3A_18] : memref<32x1x10000xf32, #tpu.memory_space<hbm>> -> memref<1x1x10000xf32, #tpu.memory_space<hbm>>
      %dma_start3A_20 = tpu.memref_squeeze %dma_start3A_19 : memref<1x1x10000xf32, #tpu.memory_space<hbm>> -> memref<10000xf32, #tpu.memory_space<hbm>>
      tpu.enqueue_dma source(%arg5 : memref<10000xf32, #tpu.memory_space<vmem>>) target(%dma_start3A_20 : memref<10000xf32, #tpu.memory_space<hbm>>) target_semaphore(%run_scoped3A_15 : memref<!tpu.dma_semaphore, #tpu.memory_space<semaphore_mem>>)
      %dma_wait3A = arith.constant 0 : i32
      %dma_wait3A_21 = tpu.memref_slice %arg3[%add3A, %run_scoped3A, %dma_wait3A] : memref<32x1x10000xf32, #tpu.memory_space<hbm>> -> memref<1x1x10000xf32, #tpu.memory_space<hbm>>
      %dma_wait3A_22 = tpu.memref_squeeze %dma_wait3A_21 : memref<1x1x10000xf32, #tpu.memory_space<hbm>> -> memref<10000xf32, #tpu.memory_space<hbm>>
      %dma_wait3A_23 = arith.constant 0 : i32
      %dma_wait3A_24 = tpu.memref_slice %arg3[%add3A, %run_scoped3A, %dma_wait3A_23] : memref<32x1x10000xf32, #tpu.memory_space<hbm>> -> memref<1x1x10000xf32, #tpu.memory_space<hbm>>
      %dma_wait3A_25 = tpu.memref_squeeze %dma_wait3A_24 : memref<1x1x10000xf32, #tpu.memory_space<hbm>> -> memref<10000xf32, #tpu.memory_space<hbm>>
      tpu.wait_dma2 semaphore(%run_scoped3A_15 : memref<!tpu.dma_semaphore, #tpu.memory_space<semaphore_mem>>) src(%arg5 : memref<10000xf32, #tpu.memory_space<vmem>>) dst(%dma_wait3A_25 : memref<10000xf32, #tpu.memory_space<hbm>>)
      tpu.yield
    }) : () -> ()
    return
  }
}

</mosaic_0001>

<sc_bundles>
// kernel: _sc_degree.3.cloned.1.call-start
scs
__scs_entry_jumppad:
0x0: {  	(pc) =	sbr.rel $0x88, $3  }
0x1: {  	(tag) =	ssettag $0x0;
	lr =	simm.s32 $0x1  }
0x2: {  	[smem:$0x3FA0] =	sst lr;
	_ =	strace $0xD0000000  }
0x3: {  	_ = 	snop  }
0x4: {  	_ = 	snop  }
0x5: {  	_ = 	snop  }
0x6: {  	_ = 	snop  }
0x7: {  	_ = 	snop  }
__scs_overlays_trampoline_lowered:
0x8: {  	[smem:$0x3FAF] =	sst s0  }
0x9: {  	[smem:$0x3FB0] =	sst s1  }
0xa: {  	[smem:$0x3FB1] =	sst s2  }
0xb: {  	[smem:$0x3FB2] =	sst s3  }
0xc: {  	[smem:$0x3FB3] =	sst s4  }
0xd: {  	[smem:$0x3FB4] =	sst s5  }
0xe: {  	[smem:$0x3FB5] =	sst s6  }
0xf: {  	[smem:$0x3FB6] =	sst s7  }
0x10: {  	[smem:$0x3FB7] =	sst s8  }
0x11: {  	[smem:$0x3FB8] =	sst s9;
	s0 =	simm.s32 @!p0 $0x0  }
0x12: {  	s1 =	sld [smem:$0x3F9E];
	s0 =	simm.s32 @p0 $0x1  }
0x13: {  	[smem:$0x3FB9] =	sst s0;
	s0 =	simm.s32 @!p1 $0x0  }
0x14: {  	s2 =	sld [smem:$0x3F9D];
	s0 =	simm.s32 @p1 $0x1  }
0x15: {  	[smem:$0x3FBA] =	sst s0;
	s0 =	simm.s32 @!p2 $0x0  }
0x16: {  	s3 =	sld [smem:$0x3FDB];
	s0 =	simm.s32 @p2 $0x1  }
0x17: {  	s4 =	simm.s32 $0x1BF5;
	[smem:$0x3FBC] =	sst s0  }
0x18: {  	s0 =	sld [smem:$0x3F9F];
	_ =	swait.ge [sflag:s4], $0x0  }
0x19: {  	s7 =	sld [smem:$0x3FA0]  }
0x1a: {  	s8 =	sadd.s32 $0xFFFFE003, lr  }
0x1b: {  	s9 =	sadd.s32 $0xFFFFFEF7, lr;
	s5 =	simm.s32 $0xFFFFFFFF;
	p2 =	slt.u32 s8, $0xFFFFF086  }
0x1c: {  	p1 =	slt.u32 s9, $0xF7A;
	s5 =	simm.s32 @!p2 $0x0  }
0x1d: {  	s5 =	simm.s32 @p1 $0x1;
	p0 =	seq.s32 s7, s2  }
0x1e: {  	s7 =	smul.u32 @!p0 $0xF7A, s2;
	p2 =	seq.s32 @!p0 s5, $0x0  }
0x1f: {  	s9 =	smul.u32 $0xF7A, s1;
	s8 =	simm.s32 @!p0 $0x1BF5;
	p2 =	por !p2, p0  }
0x20: {  	[sflag:s8] =	ssyncset.s32 @!p0 $0xFFFFF086;
	s6 =	sadd.s32 @!p0 s3, s7;
	s7 =	simm.s32 @!p0 $0x108  }
0x21: {  	s3 =	sadd.s32 s3, s9;
	s6 =	sadd.s32 @!p0 $0x88, s6;
	s7 =	simm.s32 @p2 $0x1082  }
0x22: {  	[simem:s7], [sflag:s8] =	dma.local @!p0 [hbm:s6], $0xF7A  }
0x23: {  	s9 =	sor.u32 $0xD0000000, s2;
	s6 =	simm.s32 $0x108;
	_ =	swait.ge @!p0 [sflag:s8], $0x0  }
0x24: {  	s3 =	sadd.s32 $0x88, s3;
	s6 =	simm.s32 @!p1 $0x1082;
	[sflag:s4] =	ssyncset.s32 $0xFFFFF086  }
0x25: {  	[simem:s6], [sflag:s4] =	dma.local [hbm:s3], $0xF7A  }
0x26: {  	[smem:$0x3FA0] =	sst s1;
	(tag) =	ssettag s2;
	_ =	strace s9  }
0x27: {  	s1 =	sld [smem:$0x3FB0]  }
0x28: {  	s2 =	sld [smem:$0x3FB1]  }
0x29: {  	s4 =	sld [smem:$0x3FB3]  }
0x2a: {  	p0 =	seq.s32 s5, $0x0;
	s5 =	sld [smem:$0x3FB4]  }
0x2b: {  	s6 =	sld [smem:$0x3FB5]  }
0x2c: {  	s7 =	sld [smem:$0x3FB6]  }
0x2d: {  	s3 =	simm.s32 $0x108;
	s8 =	sld [smem:$0x3FB7]  }
0x2e: {  	s3 =	simm.s32 @!p0 $0x1082;
	s9 =	sld [smem:$0x3FB8]  }
0x2f: {  	lr =	sadd.s32 s0, s3;
	s0 =	sld [smem:$0x3FAF]  }
0x30: {  	s3 =	sld [smem:$0x3FB2]  }
0x31: {  	[smem:$0x3FBB] =	sst s10  }
0x32: {  	s10 =	sld [smem:$0x3FB9];
	_ =	sdelay $0x3  }
0x33: {  	p0 =	seq.s32 s10, $0x1;
	s10 =	sld [smem:$0x3FBB];
	_ =	sdelay $0x3  }
0x34: {  	[smem:$0x3FBB] =	sst s10  }
0x35: {  	s10 =	sld [smem:$0x3FBA];
	_ =	sdelay $0x3  }
0x36: {  	p1 =	seq.s32 s10, $0x1;
	s10 =	sld [smem:$0x3FBB];
	_ =	sdelay $0x3  }
0x37: {  	[smem:$0x3FBB] =	sst s10  }
0x38: {  	s10 =	sld [smem:$0x3FBC]  }
0x39: {  	_ = 	snop;
	(pc) =	sbr.ind lr, $3  }
0x3a: {  	_ = 	snop  }
0x3b: {  	_ = 	snop  }
0x3c: {  	p2 =	seq.s32 s10, $0x1;
	s10 =	sld [smem:$0x3FBB]  }
0x3d: {  	_ =	shalt  }
0x3e: {  	_ =	shalt  }
0x3f: {  	_ =	shalt  }
0x40: {  	_ =	shalt  }
0x41: {  	_ =	shalt  }
0x42: {  	_ =	shalt  }
0x43: {  	_ =	shalt  }
0x44: {  	_ =	shalt  }
0x45: {  	_ =	shalt  }
0x46: {  	_ =	shalt  }
0x47: {  	_ =	shalt  }
0x48: {  	_ =	shalt  }
0x49: {  	_ =	shalt  }
0x4a: {  	_ =	shalt  }
0x4b: {  	_ =	shalt  }
0x4c: {  	_ =	shalt  }
0x4d: {  	_ =	shalt  }
0x4e: {  	_ =	shalt  }
0x4f: {  	_ =	shalt  }
0x50: {  	_ =	shalt  }
0x51: {  	_ =	shalt  }
0x52: {  	_ =	shalt  }
0x53: {  	_ =	shalt  }
0x54: {  	_ =	shalt  }
0x55: {  	_ =	shalt  }
0x56: {  	_ =	shalt  }
0x57: {  	_ =	shalt  }
0x58: {  	_ =	shalt  }
0x59: {  	_ =	shalt  }
0x5a: {  	_ =	shalt  }
0x5b: {  	_ =	shalt  }
0x5c: {  	_ =	shalt  }
0x5d: {  	_ =	shalt  }
0x5e: {  	_ =	shalt  }
0x5f: {  	_ =	shalt  }
0x60: {  	_ =	shalt  }
0x61: {  	_ =	shalt  }
0x62: {  	_ =	shalt  }
0x63: {  	_ =	shalt  }
0x64: {  	_ =	shalt  }
0x65: {  	_ =	shalt  }
0x66: {  	_ =	shalt  }
0x67: {  	_ =	shalt  }
0x68: {  	_ =	shalt  }
0x69: {  	_ =	shalt  }
0x6a: {  	_ =	shalt  }
0x6b: {  	_ =	shalt  }
0x6c: {  	_ =	shalt  }
0x6d: {  	_ =	shalt  }
0x6e: {  	_ =	shalt  }
0x6f: {  	_ =	shalt  }
0x70: {  	_ =	shalt  }
0x71: {  	_ =	shalt  }
0x72: {  	_ =	shalt  }
0x73: {  	_ =	shalt  }
0x74: {  	_ =	shalt  }
0x75: {  	_ =	shalt  }
0x76: {  	_ =	shalt  }
0x77: {  	_ =	shalt  }
0x78: {  	_ =	shalt  }
0x79: {  	_ =	shalt  }
0x7a: {  	_ =	shalt  }
0x7b: {  	_ =	shalt  }
0x7c: {  	_ =	shalt  }
0x7d: {  	_ =	shalt  }
0x7e: {  	_ =	shalt  }
0x7f: {  	_ =	shalt  }
0x80: {  	_ =	shalt  }
0x81: {  	_ =	shalt  }
0x82: {  	_ =	shalt  }
0x83: {  	_ =	shalt  }
0x84: {  	_ =	shalt  }
0x85: {  	_ =	shalt  }
0x86: {  	_ =	shalt  }
0x87: {  	_ =	shalt  }
.Lfunc_end0:
.L_simem_size_0:
called_computation_lowered:
.L_overlay_start_0:
0x88: {  	s2 =	sld [smem:$0x3FD9]  }
0x89: {  	s3 =	sld [smem:$0x3FFE];
	_ =	sdelay $0x1  }
0x8a: {  	s1 =	srdreg.scid  }
0x8b: {  	s0 =	sand.u32 $0x1, s1  }
0x8c: {  	s18 =	sshll.u32 s0, $0xA;
	s2 =	sadd.s32 s3, s2  }
0x8d: {  	s2 =	sadd.s32 s2, s18  }
0x8e: {  	[smem:$0x3FC7] =	sst s2  }
0x8f: {  	_ = 	snop  }
0x90: {  	s2 =	sld [smem:$0x3FC9]  }
0x91: {  	s19 =	sld [smem:$0x3FD0];
	(tm) =	ssettm $0x1  }
0x92: {  	s4 =	sld [smem:$0x3FFB];
	_ =	sdelay $0x3  }
0x93: {  	_ =	strace s4  }
0x94: {  	s4 =	sld [smem:$0x3FFC];
	_ =	sdelay $0x3  }
0x95: {  	_ =	strace s4  }
0x96: {  	s4 =	sld [smem:$0x3FFD];
	_ =	sdelay $0x3  }
0x97: {  	_ =	strace s4  }
0x98: {  	_ =	strace $0x8FFFFFFF  }
0x99: {  	s20 =	sld [smem:$0x3FDB];
	_ =	sdelay $0x1  }
0x9a: {  	s5 =	simm.s32 $_scs_section_size  }
0x9b: {  	s6 =	simm.s32 $_size__tile_overlayer_lowered;
	s7 =	simm.s32 $_tile_overlayer_lowered  }
0x9c: {  	s23 =	simm.s32 $0x1BFF;
	s22 =	sshll.u32 s7, $0x1;
	s4 =	sadd.s32 s5, s20  }
0x9d: {  	s8 =	simm.s32 $0x0;
	s21 =	sshll.u32 s6, $0x1;
	s6 =	sadd.s32 s22, s4  }
0x9e: {  	[timem:s8], [sflag:s23] =	dma.local [hbm:s6], s21  }
0x9f: {  	_ =	swait.ge [sflag:s23], s21  }
0xa0: {  	s5 =	ssub.s32 $0x0, s21;
	[sflag:s23] =	ssyncset.done $0x0  }
0xa1: {  	[sflag:s23] =	ssyncadd.s32 s5;
	_ =	sdelay $0x1  }
0xa2: {  	s24 =	simm.s32 $0x1B8B  }
0xa3: {  	_ =	swait.ge [sflag:s24], $0x1  }
0xa4: {  	[sflag:s24] =	ssyncset.done $0x0  }
0xa5: {  	s25 =	simm.s32 $0x1B8E;
	[sflag:s24] =	ssyncadd.s32 $0xFFFFFFFF  }
0xa6: {  	s26 =	simm.s32 $execute0_lowered;
	[smem:$0x3FD2] =	sst s25  }
0xa7: {  	s5 =	sshll.u32 s26, $0x1;
	_ =	strace $0x80000046;
	[dreg:$0x1] =	wrdreg $0xFFFFFFFF  }
0xa8: {  	s28 =	simm.s32 $_size_execute0_lowered;
	s4 =	sadd.s32 s4, s5;
	[dreg:$0x0] =	wrdreg $0x0  }
0xa9: {  	s5 =	sshll.u32 s28, $0x1;
	[dreg:$0x2] =	wrdreg s4  }
0xaa: {  	[dreg:$0x3] =	wrdreg s5  }
0xab: {  	[dreg:$0x4] =	wrdreg $0xC0  }
0xac: {  	_ =	task [dreg:s8], $0x5FFFF  }
0xad: {  	[dreg:$0x1] =	wrdreg $0xFFFFFFFF  }
0xae: {  	[dreg:$0x0] =	wrdreg $0x60  }
0xaf: {  	[dreg:$0x2] =	wrdreg s2  }
0xb0: {  	[dreg:$0x3] =	wrdreg s19  }
0xb1: {  	[dreg:$0x4] =	wrdreg $0x9  }
0xb2: {  	_ =	task.clear_ibuf [dreg:s8], $0x5FFFF;
	_ =	strace $0x90000046  }
0xb3: {  	s29 =	simm.s32 $0x9;
	_ =	strace $0x80000048  }
0xb4: {  	_ =	swait.ge [sflag:s29], $0x1  }
0xb5: {  	[sflag:s29] =	ssyncadd.s32 $0xFFFFFFFF  }
0xb6: {  	_ =	strace $0x90000048  }
0xb7: {  	_ =	sfence  }
0xb8: {  	s30 =	sld [smem:$0x0];
	_ =	sdelay $0x2  }
0xb9: {  	s31 =	sshll.u32 s1, $0xD;
	s1 =	sshrl.u32 s1, $0x2  }
0xba: {  	s3 =	sand.u32 $0x4000, s31;
	s1 =	sadd.s32 s1, s30  }
0xbb: {  	s0 =	sor.u32 s3, s0;
	s1 =	sshll.u32 s1, $0x11  }
0xbc: {  	s0 =	sor.u32 s1, s0  }
0xbd: {  	s0 =	sadd.s32 $0x8F2B, s0  }
0xbe: {  	[sflag:s0] =	ssyncadd.remote.s32 $0x1  }
0xbf: {  	_ =	sfence.sel $0xFFFF  }
0xc0: {  	[dreg:$0x0] =	wrdreg $0xFFFFFFFF;
	(pc) =	sbr.abs _section_cstart, $3  }
0xc1: {  	[dreg:$0x1] =	wrdreg $0xFFFFFFFF  }
0xc2: {  	_ =	task.clear_ibuf [dreg:s8], $0x2FFFF;
	_ =	strace $0x9FFFFFFF  }
0xc3: {  	(tm) =	ssettm $0x7FFFFFFF  }
tec
execute0_lowered:
.L_overlay_start_1:
0x0: {  	(tag) =	ssettag $0x1  }
0x1: {  	s1 =	srdreg.scid;
	s0 =	stileid.u32  }
0x2: {  	s3 =	rddreg [dreg:$0x0];
	s5 =	sand.u32 $0x1, s1;
	s2 =	sshll.u32 s0, $0x1  }
0x3: {  	s4 =	rddreg [dreg:$0x1];
	s6 =	sor.u32 s5, s2  }
0x4: {  	s2 =	simm.s32 $0x0;
	s5 =	ssub.s32 $0x2, s5;
	s7 =	smul.u32 $0x4E2, s6  }
0x5: {  	[smem:$0x7FF] =	sst s2;
	s8 =	sshrl.u32 s5, $0x1;
	s6 =	smul.u32 $0x4F0, s6  }
0x6: {  	s1 =	rddreg [dreg:$0x2];
	_ =	strace $0x80000047;
	s5 =	ssub.s32 s5, s8  }
0x7: {  	s8 =	simm.s32 $0x0;
	s3 =	sadd.s32 s3, s7;
	s4 =	sadd.s32 s4, s6  }
0x8: {  	v0 =	vimm.f32 $0.0e+00;
	v1 =	vimm.f32 $1.000000000e+00;
	s5 =	smax.u32 s5, $0x1;
	s6 =	simm.s32 $0x1;
	s7 =	simm.s32 $0x2780  }
.LBB2_1:
0x9: {  	s9 =	simm.s32 $0x40;
	s10 =	simm.s32 $0x0  }
.LBB2_2:
0xa: {  	p0 =	sne.s32 s9, $0x9C00;
	[tilespmem:s10+$0x2780] =	vst v0;
	s10 =	smov.u32 s9;
	s9 =	sadd.s32 $0x40, s9  }
.Ltmp0:
0xb: {  	(pc) =	sbr.rel @p0 .LBB2_2-.Ltmp0, $2  }
0xc: {  	_ =	sdelay $0x2  }
0xd: {  	s10 =	sshra.s32 s10, $0x2  }
0xe: {  	[tilespmem:s10+$0x2780] =	vst v0;
	s9 =	simm.s32 $0x0  }
0xf: {  	[tilespmem:s9], [sflag:$0x1] =	stream.linear.gather [hbm4b:s3+s9], $0x2710, $0x38;
	[tilespmem:$0x4F00] =	vst v63  }
0x10: {  	_ =	swait.ge [sflag:s6], $0x2710  }
0x11: {  	[sflag:s6] =	ssyncset.done $0x0  }
0x12: {  	s10 =	simm.s32 $0x0;
	s9 =	simm.s32 $0x40;
	[sflag:s6] =	ssyncadd.s32 $0xFFFFD8F0  }
.LBB2_4:
0x13: {  	p0 =	sne.s32 s9, $0x9C00;
	v2 =	vld [tilespmem:s10+$0x0];
	_ =	sdelay $0x3  }
.Ltmp1:
0x14: {  	(pc) =	sbr.rel @p0 .LBB2_4-.Ltmp1, $2  }
0x15: {  	_ =	sdelay $0x2  }
0x16: {  	s10 =	sshra.s32 s9, $0x2;
	s9 =	sadd.s32 $0x40, s9;
	[tilespmem:v2+s7+$0x0] =	vst.idx.add.f32.msk $0xffff, v1  }
0x17: {  	v2 =	vld [tilespmem:s10+$0x0];
	_ =	sdelay $0x5  }
0x18: {  	s8 =	sadd.s32 $0x1, s8  }
0x19: {  	p0 =	sne.s32 s8, s5  }
.Ltmp2:
0x1a: {  	[tilespmem:v2+s7+$0x0] =	vst.idx.add.f32.msk $0xffff, v1;
	(pc) =	sbr.rel @p0 .LBB2_1-.Ltmp2, $4  }
0x1b: {  	[hbm4b:s4+s2] =	stream.linear.scatter [tilespmem:s7], [sflag:$0x1], $0x2780, $0x38;
	[tilespmem:$0x4F00] =	vst v63  }
0x1c: {  	_ =	swait.ge [sflag:s6], $0x2780  }
0x1d: {  	[sflag:s6] =	ssyncset.done $0x0  }
0x1e: {  	[sflag:s6] =	ssyncadd.s32 $0xFFFFD880  }
0x1f: {  	_ =	sfence.sel $0x180000  }
0x20: {  	[bflag:$0x0] =	sbarrier.arrive $0xFFFF  }
0x21: {  	p0 =	sne.s32 s0, $0x0;
	_ =	strace $0x90000047  }
0x22: {  	s0 =	sadd.s32 @!p0 $0x100000, s1;
	[bflag:$0x2] =	sbarrier.arrive $0xFFFF  }
0x23: {  	[sflag:s0] =	ssyncadd.tile.s32 @!p0 $0x1;
	_ =	shalt  }
.Lfunc_end2:
_tile_overlayer_lowered:
.L_overlay_start_2:
0x24: {  	(tag) =	ssettag $0x2  }
0x25: {  	s0 =	rddreg [dreg:$0x0];
	s2 =	stileid.u32  }
0x26: {  	s1 =	rddreg [dreg:$0x1];
	p0 =	sne.s32 s2, $0x0  }
0x27: {  	s3 =	rddreg [dreg:$0x2];
	[bflag:$0x3] =	sbarrier.arrive $0xFFFF;
	s2 =	simm.s32 @!p0 $0x1C01  }
0x28: {  	[timem:s3], [sflag:s2] =	dma.local @!p0 [hbm:s0], s1  }
0x29: {  	s0 =	simm.s32 @!p0 $0x1  }
0x2a: {  	_ =	swait.ge @!p0 [sflag:s0], s1  }
0x2b: {  	s1 =	ssub.s32 @!p0 $0x0, s1;
	[sflag:s0] =	ssyncset.done @!p0 $0x0  }
0x2c: {  	[sflag:s0] =	ssyncadd.s32 @!p0 s1  }
0x2d: {  	[bflag:$0x3] =	sbarrier.arrive $0xFFFF  }
0x2e: {  	_ =	shalt  }

</sc_bundles>
